<compile_context>
chip_gen: v7x
topology: tpu7x:2x2x1
jax: 0.10.2.dev20260603
libtpu: 0.0.44.dev20260713+nightly
codegen_flags: <defaults>
</compile_context>

<pallas_src>
import functools

import jax
import jax.numpy as jnp
from jax import lax
from jax.experimental import pallas as pl
from jax.experimental.pallas import tpu as pltpu
from jax.experimental.pallas import tpu_sc as plsc

_K = 8192
_D = 256
_M = 6272
_MB = 448
_NM = _M // _MB
_CH = 128
_NCH = _K // _CH

_NROW = 8


def _dist_argmin_body(csq_ref, x_ref, ct_ref,
                      idx_ref, loss_ref, acc_ref):
    m = pl.program_id(0)
    x = x_ref[...]
    ct = ct_ref[...]
    dot = jnp.dot(x, ct, preferred_element_type=jnp.float32)
    xsq = jnp.sum(x * x, axis=1, keepdims=True)
    dist = (csq_ref[...] + xsq) - 2.0 * dot
    lm = jnp.min(dist, axis=1, keepdims=True)
    ii = lax.broadcasted_iota(jnp.int32, dist.shape, 1)
    li = jnp.min(jnp.where(dist == lm, ii, jnp.int32(2**30)),
                 axis=1, keepdims=True)
    idx_ref[...] = li
    part = jnp.sum(lm)

    @pl.when(m == 0)
    def _():
        acc_ref[0] = part

    @pl.when(m > 0)
    def _():
        acc_ref[0] = acc_ref[0] + part

    @pl.when(m == _NM - 1)
    def _():
        loss_ref[...] = jnp.reshape(acc_ref[0] * (0.25 / (_M * _D)), (1, 1))


def _dist_argmin(csq, x, ct):
    return pl.pallas_call(
        _dist_argmin_body,
        grid=(_NM,),
        in_specs=[
            pl.BlockSpec((1, _K), lambda m: (0, 0)),
            pl.BlockSpec((_MB, _D), lambda m: (m, 0)),
            pl.BlockSpec((_D, _K), lambda m: (0, 0)),
        ],
        out_specs=[
            pl.BlockSpec((_MB, 1), lambda m: (m, 0)),
            pl.BlockSpec((1, 1), lambda m: (0, 0)),
        ],
        out_shape=[
            jax.ShapeDtypeStruct((_M, 1), jnp.int32),
            jax.ShapeDtypeStruct((1, 1), jnp.float32),
        ],
        scratch_shapes=[pltpu.SMEM((1,), jnp.float32)],
    )(csq, x, ct)


def _sc_gather_t(ct, idx):
    mesh = plsc.VectorSubcoreMesh(core_axis_name="c", subcore_axis_name="s")

    @functools.partial(
        pl.kernel,
        out_type=jax.ShapeDtypeStruct((_D, _M), jnp.float32),
        mesh=mesh,
        compiler_params=pltpu.CompilerParams(
            needs_layout_passes=False, use_tc_tiling_on_sc=True),
        scratch_types=[
            pltpu.VMEM((_NROW, _K), jnp.float32),
            pltpu.VMEM((_M,), jnp.int32),
            pltpu.VMEM((_NROW, _M), jnp.float32),
            pltpu.SemaphoreType.DMA,
        ],
    )
    def k(ct_hbm, idx_hbm, zqt_hbm, ct_v, idx_v, out_v, sem):
        wid = lax.axis_index("s") * 2 + lax.axis_index("c")
        r0 = wid * _NROW
        cp = pltpu.async_copy(ct_hbm.at[pl.ds(r0, _NROW)], ct_v, sem)
        pltpu.sync_copy(idx_hbm, idx_v)
        cp.wait()

        @plsc.parallel_loop(0, _M // 16, unroll=8)
        def body(i):
            ids = idx_v[pl.ds(i * 16, 16)]
            for c in range(_NROW):
                cvec = jnp.full((16,), c, jnp.int32)
                out_v[c, pl.ds(i * 16, 16)] = plsc.load_gather(
                    ct_v, [cvec, ids])
        pltpu.sync_copy(out_v, zqt_hbm.at[pl.ds(r0, _NROW)])

    return k(ct, idx)


def kernel(z_e_x, codebook):
    bsz, hid, h, t = z_e_x.shape
    x = jnp.transpose(z_e_x, (0, 2, 3, 1)).reshape(-1, hid)
    csq = jnp.sum(codebook ** 2, axis=1).reshape(1, _K)
    ct = codebook.T
    idx2, loss = _dist_argmin(csq, x, ct)
    indices = idx2[:, 0]
    zqt = _sc_gather_t(ct, indices)
    z_q_x_bar = jnp.transpose(zqt.reshape(hid, bsz, h, t), (1, 0, 2, 3))
    return indices.reshape(bsz, h, t), z_q_x_bar, loss[0, 0]

# --- scband reference (transcript-rebuilt; emitter-appended) ---
"""Pipeline reference for scband-vqembedding-57243324121649 (READ-ONLY COPY).

The authoritative reference and input builder live on the scoring server;
editing this copy changes nothing except your own understanding.
"""

import jax, jax.numpy as jnp
import numpy as np

K = 8192
D = 256

def setup_inputs(seed: int = 0) -> dict:
    key = jax.random.key(seed)
    k1, k2 = jax.random.split(key)
    z_e_x = jax.random.normal(k1, (32, 256, 14, 14), dtype=jnp.float32)
    # nn.Embedding weight initialized uniform(-1/K, 1/K)
    codebook = jax.random.uniform(k2, (K, D), dtype=jnp.float32, minval=-1.0 / K, maxval=1.0 / K)
    return {"z_e_x": z_e_x, "codebook": codebook}

def reference(z_e_x, codebook):
    bsz, hid, h, t = z_e_x.shape
    # permute(0, 2, 3, 1)
    z_e_x_ = jnp.transpose(z_e_x, (0, 2, 3, 1))
    inputs_flatten = z_e_x_.reshape(-1, hid)
    # nearest-neighbor assignment via expanded squared L2 distance (addmm form)
    codebook_sqr = jnp.sum(codebook ** 2, axis=1)
    inputs_sqr = jnp.sum(inputs_flatten ** 2, axis=1, keepdims=True)
    distances = (codebook_sqr + inputs_sqr) - 2.0 * (inputs_flatten @ codebook.T)
    indices = jnp.argmin(distances, axis=1)
    # z_q_x_bar = index_select(embedding.weight, indices)
    z_q_x_bar_flatten = jnp.take(codebook, indices, axis=0)
    z_q_x_bar_ = z_q_x_bar_flatten.reshape(z_e_x_.shape)
    z_q_x_bar = jnp.transpose(z_q_x_bar_, (0, 3, 1, 2))
    commitment_loss = 0.25 * jnp.mean((z_e_x - jax.lax.stop_gradient(z_q_x_bar)) ** 2)
    return indices.reshape(bsz, h, t), z_q_x_bar, commitment_loss

if __name__ == "__main__":
    import jax
    _d = setup_inputs()
    print(jax.jit(kernel)(*tuple(_d.values())))

</pallas_src>

<mosaic_0001>
#map = affine_map<(d0, d1) -> (0, 0)>
#map1 = affine_map<(d0, d1) -> (0)>
module attributes {stable_mosaic.version = 14 : i64} {
  func.func @k(%arg0: i32, %arg1: i32, %arg2: memref<256x8192xf32, #tpu.memory_space<hbm>>, %arg3: memref<6272xi32, #tpu.memory_space<hbm>>, %arg4: memref<256x6272xf32, #tpu.memory_space<hbm>>, %arg5: memref<8x8192xf32, #tpu.memory_space<vmem>>, %arg6: memref<6272xi32, #tpu.memory_space<vmem>>, %arg7: memref<8x6272xf32, #tpu.memory_space<vmem>>, %arg8: memref<!tpu.dma_semaphore, #tpu.memory_space<semaphore_mem>>) attributes {dimension_semantics = [#tpu.dimension_semantics<core_parallel>, #tpu.dimension_semantics<subcore_parallel>], iteration_bounds = array<i64: 2, 16>, scalar_prefetch = 0 : i64, scratch_operands = 4 : i64, tpu.core_type = #tpu.core_type<sc_vector_subcore>, window_params = [{transform_indices = #map}, {transform_indices = #map1}, {transform_indices = #map}]} {
    %mul3A = arith.constant 2 : i32
    %mul3A_0 = arith.muli %arg1, %mul3A : i32
    %add3A = arith.addi %mul3A_0, %arg0 : i32
    %mul3A_1 = arith.constant 8 : i32
    %mul3A_2 = arith.muli %add3A, %mul3A_1 : i32
    %dma_start3A = arith.constant 0 : i32
    %dma_start3A_3 = tpu.memref_slice %arg2[%mul3A_2, %dma_start3A] : memref<256x8192xf32, #tpu.memory_space<hbm>> -> memref<8x8192xf32, #tpu.memory_space<hbm>>
    %dma_start3A_4 = arith.constant 0 : i32
    %dma_start3A_5 = tpu.memref_slice %arg2[%mul3A_2, %dma_start3A_4] : memref<256x8192xf32, #tpu.memory_space<hbm>> -> memref<8x8192xf32, #tpu.memory_space<hbm>>
    tpu.enqueue_dma source(%dma_start3A_5 : memref<8x8192xf32, #tpu.memory_space<hbm>>) target(%arg5 : memref<8x8192xf32, #tpu.memory_space<vmem>>) target_semaphore(%arg8 : memref<!tpu.dma_semaphore, #tpu.memory_space<semaphore_mem>>)
    "tpu.region"() ({
      %run_scoped3A = tpu.sem_alloc : memref<!tpu.dma_semaphore, #tpu.memory_space<semaphore_mem>>
      tpu.enqueue_dma source(%arg3 : memref<6272xi32, #tpu.memory_space<hbm>>) target(%arg6 : memref<6272xi32, #tpu.memory_space<vmem>>) target_semaphore(%run_scoped3A : memref<!tpu.dma_semaphore, #tpu.memory_space<semaphore_mem>>)
      tpu.wait_dma2 semaphore(%run_scoped3A : memref<!tpu.dma_semaphore, #tpu.memory_space<semaphore_mem>>) src(%arg3 : memref<6272xi32, #tpu.memory_space<hbm>>) dst(%arg6 : memref<6272xi32, #tpu.memory_space<vmem>>)
      tpu.yield
    }) : () -> ()
    %dma_wait3A = arith.constant 0 : i32
    %dma_wait3A_6 = tpu.memref_slice %arg2[%mul3A_2, %dma_wait3A] : memref<256x8192xf32, #tpu.memory_space<hbm>> -> memref<8x8192xf32, #tpu.memory_space<hbm>>
    %dma_wait3A_7 = arith.constant 0 : i32
    %dma_wait3A_8 = tpu.memref_slice %arg2[%mul3A_2, %dma_wait3A_7] : memref<256x8192xf32, #tpu.memory_space<hbm>> -> memref<8x8192xf32, #tpu.memory_space<hbm>>
    tpu.wait_dma2 semaphore(%arg8 : memref<!tpu.dma_semaphore, #tpu.memory_space<semaphore_mem>>) src(%dma_wait3A_8 : memref<8x8192xf32, #tpu.memory_space<hbm>>) dst(%arg5 : memref<8x8192xf32, #tpu.memory_space<vmem>>)
    %parallel_loop3A = arith.constant 0 : i32
    %parallel_loop3A_9 = arith.constant 392 : i32
    %parallel_loop3A_10 = arith.constant 1 : i32
    scf.for %parallel_loop3A_11 = %parallel_loop3A to %parallel_loop3A_9 step %parallel_loop3A_10  : i32 {
      %parallel_loop3A_12 = arith.constant 16 : i32
      %parallel_loop3A_13 = arith.muli %parallel_loop3A_11, %parallel_loop3A_12 : i32
      %parallel_loop3A_14 = arith.index_cast %parallel_loop3A_13 : i32 to index
      %parallel_loop3A_15 = tpu.vector_load %arg6[%parallel_loop3A_14] {strides = array<i32>} : memref<6272xi32, #tpu.memory_space<vmem>>, vector<16xi32>,
      %parallel_loop3A_16 = arith.constant 0 : i32
      %parallel_loop3A_17 = vector.broadcast %parallel_loop3A_16 : i32 to vector<16xi32>
      %parallel_loop3A_18 = tpu.vector_load_idx %arg5[%parallel_loop3A_17, %parallel_loop3A_15] : memref<8x8192xf32, #tpu.memory_space<vmem>>[vector<16xi32>, vector<16xi32>], vector<16xf32>,
      %parallel_loop3A_19 = arith.constant 16 : i32
      %parallel_loop3A_20 = arith.muli %parallel_loop3A_11, %parallel_loop3A_19 : i32
      %parallel_loop3A_21 = arith.constant 0 : i32
      %parallel_loop3A_22 = arith.index_cast %parallel_loop3A_21 : i32 to index
      %parallel_loop3A_23 = arith.index_cast %parallel_loop3A_20 : i32 to index
      %parallel_loop3A_24 = tpu.vector_load %arg7[%parallel_loop3A_22, %parallel_loop3A_23] {strides = array<i32>} : memref<8x6272xf32, #tpu.memory_space<vmem>>, vector<16xf32>,
      tpu.vector_store %arg7[%parallel_loop3A_22, %parallel_loop3A_23], %parallel_loop3A_18 {strides = array<i32>} : memref<8x6272xf32, #tpu.memory_space<vmem>>, vector<16xf32>,
      %parallel_loop3A_25 = arith.constant 1 : i32
      %parallel_loop3A_26 = vector.broadcast %parallel_loop3A_25 : i32 to vector<16xi32>
      %parallel_loop3A_27 = tpu.vector_load_idx %arg5[%parallel_loop3A_26, %parallel_loop3A_15] : memref<8x8192xf32, #tpu.memory_space<vmem>>[vector<16xi32>, vector<16xi32>], vector<16xf32>,
      %parallel_loop3A_28 = arith.constant 16 : i32
      %parallel_loop3A_29 = arith.muli %parallel_loop3A_11, %parallel_loop3A_28 : i32
      %parallel_loop3A_30 = arith.constant 1 : i32
      %parallel_loop3A_31 = arith.index_cast %parallel_loop3A_30 : i32 to index
      %parallel_loop3A_32 = arith.index_cast %parallel_loop3A_29 : i32 to index
      %parallel_loop3A_33 = tpu.vector_load %arg7[%parallel_loop3A_31, %parallel_loop3A_32] {strides = array<i32>} : memref<8x6272xf32, #tpu.memory_space<vmem>>, vector<16xf32>,
      tpu.vector_store %arg7[%parallel_loop3A_31, %parallel_loop3A_32], %parallel_loop3A_27 {strides = array<i32>} : memref<8x6272xf32, #tpu.memory_space<vmem>>, vector<16xf32>,
      %parallel_loop3A_34 = arith.constant 2 : i32
      %parallel_loop3A_35 = vector.broadcast %parallel_loop3A_34 : i32 to vector<16xi32>
      %parallel_loop3A_36 = tpu.vector_load_idx %arg5[%parallel_loop3A_35, %parallel_loop3A_15] : memref<8x8192xf32, #tpu.memory_space<vmem>>[vector<16xi32>, vector<16xi32>], vector<16xf32>,
      %parallel_loop3A_37 = arith.constant 16 : i32
      %parallel_loop3A_38 = arith.muli %parallel_loop3A_11, %parallel_loop3A_37 : i32
      %parallel_loop3A_39 = arith.constant 2 : i32
      %parallel_loop3A_40 = arith.index_cast %parallel_loop3A_39 : i32 to index
      %parallel_loop3A_41 = arith.index_cast %parallel_loop3A_38 : i32 to index
      %parallel_loop3A_42 = tpu.vector_load %arg7[%parallel_loop3A_40, %parallel_loop3A_41] {strides = array<i32>} : memref<8x6272xf32, #tpu.memory_space<vmem>>, vector<16xf32>,
      tpu.vector_store %arg7[%parallel_loop3A_40, %parallel_loop3A_41], %parallel_loop3A_36 {strides = array<i32>} : memref<8x6272xf32, #tpu.memory_space<vmem>>, vector<16xf32>,
      %parallel_loop3A_43 = arith.constant 3 : i32
      %parallel_loop3A_44 = vector.broadcast %parallel_loop3A_43 : i32 to vector<16xi32>
      %parallel_loop3A_45 = tpu.vector_load_idx %arg5[%parallel_loop3A_44, %parallel_loop3A_15] : memref<8x8192xf32, #tpu.memory_space<vmem>>[vector<16xi32>, vector<16xi32>], vector<16xf32>,
      %parallel_loop3A_46 = arith.constant 16 : i32
      %parallel_loop3A_47 = arith.muli %parallel_loop3A_11, %parallel_loop3A_46 : i32
      %parallel_loop3A_48 = arith.constant 3 : i32
      %parallel_loop3A_49 = arith.index_cast %parallel_loop3A_48 : i32 to index
      %parallel_loop3A_50 = arith.index_cast %parallel_loop3A_47 : i32 to index
      %parallel_loop3A_51 = tpu.vector_load %arg7[%parallel_loop3A_49, %parallel_loop3A_50] {strides = array<i32>} : memref<8x6272xf32, #tpu.memory_space<vmem>>, vector<16xf32>,
      tpu.vector_store %arg7[%parallel_loop3A_49, %parallel_loop3A_50], %parallel_loop3A_45 {strides = array<i32>} : memref<8x6272xf32, #tpu.memory_space<vmem>>, vector<16xf32>,
      %parallel_loop3A_52 = arith.constant 4 : i32
      %parallel_loop3A_53 = vector.broadcast %parallel_loop3A_52 : i32 to vector<16xi32>
      %parallel_loop3A_54 = tpu.vector_load_idx %arg5[%parallel_loop3A_53, %parallel_loop3A_15] : memref<8x8192xf32, #tpu.memory_space<vmem>>[vector<16xi32>, vector<16xi32>], vector<16xf32>,
      %parallel_loop3A_55 = arith.constant 16 : i32
      %parallel_loop3A_56 = arith.muli %parallel_loop3A_11, %parallel_loop3A_55 : i32
      %parallel_loop3A_57 = arith.constant 4 : i32
      %parallel_loop3A_58 = arith.index_cast %parallel_loop3A_57 : i32 to index
      %parallel_loop3A_59 = arith.index_cast %parallel_loop3A_56 : i32 to index
      %parallel_loop3A_60 = tpu.vector_load %arg7[%parallel_loop3A_58, %parallel_loop3A_59] {strides = array<i32>} : memref<8x6272xf32, #tpu.memory_space<vmem>>, vector<16xf32>,
      tpu.vector_store %arg7[%parallel_loop3A_58, %parallel_loop3A_59], %parallel_loop3A_54 {strides = array<i32>} : memref<8x6272xf32, #tpu.memory_space<vmem>>, vector<16xf32>,
      %parallel_loop3A_61 = arith.constant 5 : i32
      %parallel_loop3A_62 = vector.broadcast %parallel_loop3A_61 : i32 to vector<16xi32>
      %parallel_loop3A_63 = tpu.vector_load_idx %arg5[%parallel_loop3A_62, %parallel_loop3A_15] : memref<8x8192xf32, #tpu.memory_space<vmem>>[vector<16xi32>, vector<16xi32>], vector<16xf32>,
      %parallel_loop3A_64 = arith.constant 16 : i32
      %parallel_loop3A_65 = arith.muli %parallel_loop3A_11, %parallel_loop3A_64 : i32
      %parallel_loop3A_66 = arith.constant 5 : i32
      %parallel_loop3A_67 = arith.index_cast %parallel_loop3A_66 : i32 to index
      %parallel_loop3A_68 = arith.index_cast %parallel_loop3A_65 : i32 to index
      %parallel_loop3A_69 = tpu.vector_load %arg7[%parallel_loop3A_67, %parallel_loop3A_68] {strides = array<i32>} : memref<8x6272xf32, #tpu.memory_space<vmem>>, vector<16xf32>,
      tpu.vector_store %arg7[%parallel_loop3A_67, %parallel_loop3A_68], %parallel_loop3A_63 {strides = array<i32>} : memref<8x6272xf32, #tpu.memory_space<vmem>>, vector<16xf32>,
      %parallel_loop3A_70 = arith.constant 6 : i32
      %parallel_loop3A_71 = vector.broadcast %parallel_loop3A_70 : i32 to vector<16xi32>
      %parallel_loop3A_72 = tpu.vector_load_idx %arg5[%parallel_loop3A_71, %parallel_loop3A_15] : memref<8x8192xf32, #tpu.memory_space<vmem>>[vector<16xi32>, vector<16xi32>], vector<16xf32>,
      %parallel_loop3A_73 = arith.constant 16 : i32
      %parallel_loop3A_74 = arith.muli %parallel_loop3A_11, %parallel_loop3A_73 : i32
      %parallel_loop3A_75 = arith.constant 6 : i32
      %parallel_loop3A_76 = arith.index_cast %parallel_loop3A_75 : i32 to index
      %parallel_loop3A_77 = arith.index_cast %parallel_loop3A_74 : i32 to index
      %parallel_loop3A_78 = tpu.vector_load %arg7[%parallel_loop3A_76, %parallel_loop3A_77] {strides = array<i32>} : memref<8x6272xf32, #tpu.memory_space<vmem>>, vector<16xf32>,
      tpu.vector_store %arg7[%parallel_loop3A_76, %parallel_loop3A_77], %parallel_loop3A_72 {strides = array<i32>} : memref<8x6272xf32, #tpu.memory_space<vmem>>, vector<16xf32>,
      %parallel_loop3A_79 = arith.constant 7 : i32
      %parallel_loop3A_80 = vector.broadcast %parallel_loop3A_79 : i32 to vector<16xi32>
      %parallel_loop3A_81 = tpu.vector_load_idx %arg5[%parallel_loop3A_80, %parallel_loop3A_15] : memref<8x8192xf32, #tpu.memory_space<vmem>>[vector<16xi32>, vector<16xi32>], vector<16xf32>,
      %parallel_loop3A_82 = arith.constant 16 : i32
      %parallel_loop3A_83 = arith.muli %parallel_loop3A_11, %parallel_loop3A_82 : i32
      %parallel_loop3A_84 = arith.constant 7 : i32
      %parallel_loop3A_85 = arith.index_cast %parallel_loop3A_84 : i32 to index
      %parallel_loop3A_86 = arith.index_cast %parallel_loop3A_83 : i32 to index
      %parallel_loop3A_87 = tpu.vector_load %arg7[%parallel_loop3A_85, %parallel_loop3A_86] {strides = array<i32>} : memref<8x6272xf32, #tpu.memory_space<vmem>>, vector<16xf32>,
      tpu.vector_store %arg7[%parallel_loop3A_85, %parallel_loop3A_86], %parallel_loop3A_81 {strides = array<i32>} : memref<8x6272xf32, #tpu.memory_space<vmem>>, vector<16xf32>,
    } {sc.loop_unroll_factor = 8 : i64, sc.parallel_access}
    "tpu.region"() ({
      %run_scoped3A = tpu.sem_alloc : memref<!tpu.dma_semaphore, #tpu.memory_space<semaphore_mem>>
      %dma_start3A_11 = arith.constant 0 : i32
      %dma_start3A_12 = tpu.memref_slice %arg4[%mul3A_2, %dma_start3A_11] : memref<256x6272xf32, #tpu.memory_space<hbm>> -> memref<8x6272xf32, #tpu.memory_space<hbm>>
      %dma_start3A_13 = arith.constant 0 : i32
      %dma_start3A_14 = tpu.memref_slice %arg4[%mul3A_2, %dma_start3A_13] : memref<256x6272xf32, #tpu.memory_space<hbm>> -> memref<8x6272xf32, #tpu.memory_space<hbm>>
      tpu.enqueue_dma source(%arg7 : memref<8x6272xf32, #tpu.memory_space<vmem>>) target(%dma_start3A_14 : memref<8x6272xf32, #tpu.memory_space<hbm>>) target_semaphore(%run_scoped3A : memref<!tpu.dma_semaphore, #tpu.memory_space<semaphore_mem>>)
      %dma_wait3A_15 = arith.constant 0 : i32
      %dma_wait3A_16 = tpu.memref_slice %arg4[%mul3A_2, %dma_wait3A_15] : memref<256x6272xf32, #tpu.memory_space<hbm>> -> memref<8x6272xf32, #tpu.memory_space<hbm>>
      %dma_wait3A_17 = arith.constant 0 : i32
      %dma_wait3A_18 = tpu.memref_slice %arg4[%mul3A_2, %dma_wait3A_17] : memref<256x6272xf32, #tpu.memory_space<hbm>> -> memref<8x6272xf32, #tpu.memory_space<hbm>>
      tpu.wait_dma2 semaphore(%run_scoped3A : memref<!tpu.dma_semaphore, #tpu.memory_space<semaphore_mem>>) src(%arg7 : memref<8x6272xf32, #tpu.memory_space<vmem>>) dst(%dma_wait3A_18 : memref<8x6272xf32, #tpu.memory_space<hbm>>)
      tpu.yield
    }) : () -> ()
    return
  }
}

module attributes {stable_mosaic.version = 14 : i64} {
  func.func @_dist_argmin_body(%arg0: i32, %arg1: memref<1x8192xf32, #tpu.memory_space<vmem>>, %arg2: memref<448x256xf32, #tpu.memory_space<vmem>>, %arg3: memref<256x8192xf32, #tpu.memory_space<vmem>>, %arg4: memref<448x1xi32, #tpu.memory_space<vmem>>, %arg5: memref<1x1xf32, #tpu.memory_space<vmem>>, %arg6: memref<1xf32, #tpu.memory_space<smem>>) attributes {dimension_semantics = [#tpu.dimension_semantics<arbitrary>], iteration_bounds = array<i64: 14>, scalar_prefetch = 0 : i64, scratch_operands = 1 : i64, tpu.core_type = #tpu.core_type<tc>, window_params = [{pipeline_mode = #tpu.pipeline_mode<synchronous>, transform_indices = @transform_0, window_bounds = array<i64: 1, 8192>}, {transform_indices = @transform_1, window_bounds = array<i64: 448, 256>}, {pipeline_mode = #tpu.pipeline_mode<synchronous>, transform_indices = @transform_2, window_bounds = array<i64: 256, 8192>}, {transform_indices = @transform_3, window_bounds = array<i64: 448, 1>}, {pipeline_mode = #tpu.pipeline_mode<synchronous>, transform_indices = @transform_4, window_bounds = array<i64: 1, 1>}]} {
    %get3A = arith.constant 0 : index
    %get3A_0 = arith.constant 0 : index
    %get3A_1 = vector.load %arg2[%get3A, %get3A_0] : memref<448x256xf32, #tpu.memory_space<vmem>>, vector<448x256xf32>
    %get3A_2 = arith.constant 0 : index
    %get3A_3 = arith.constant 0 : index
    %get3A_4 = vector.load %arg3[%get3A_2, %get3A_3] : memref<256x8192xf32, #tpu.memory_space<vmem>>, vector<256x8192xf32>
    %dot_general3A = arith.constant dense<0.000000e+00> : vector<448x8192xf32>
    %dot_general3A_5 = tpu.matmul %get3A_1, %get3A_4, %dot_general3A {dimension_numbers = #tpu.dot_dimension_numbers<[1], [0], [0], [1], [0, 0, 1, 1], [], []>, transpose_lhs_hint = false} : vector<448x256xf32>, vector<256x8192xf32>, vector<448x8192xf32> -> vector<448x8192xf32>
    %mul3A = arith.mulf %get3A_1, %get3A_1 : vector<448x256xf32>
    %reduce_sum3A = arith.constant dense<0.000000e+00> : vector<448xf32>
    %reduce_sum3A_6 = vector.multi_reduction <add>, %mul3A, %reduce_sum3A [1] : vector<448x256xf32> to vector<448xf32>
    %broadcast_in_dim3A = vector.shape_cast %reduce_sum3A_6 : vector<448xf32> to vector<448x1xf32>
    %get3A_7 = arith.constant 0 : index
    %get3A_8 = arith.constant 0 : index
    %get3A_9 = vector.load %arg1[%get3A_7, %get3A_8] : memref<1x8192xf32, #tpu.memory_space<vmem>>, vector<1x8192xf32>
    %add3A = vector.broadcast %get3A_9 : vector<1x8192xf32> to vector<448x8192xf32>
    %add3A_10 = vector.broadcast %broadcast_in_dim3A : vector<448x1xf32> to vector<448x8192xf32>
    %add3A_11 = arith.addf %add3A, %add3A_10 : vector<448x8192xf32>
    %mul3A_12 = arith.constant 2.000000e+00 : f32
    %mul3A_13 = vector.broadcast %mul3A_12 : f32 to vector<448x8192xf32>
    %mul3A_14 = arith.mulf %mul3A_13, %dot_general3A_5 : vector<448x8192xf32>
    %sub3A = arith.subf %add3A_11, %mul3A_14 : vector<448x8192xf32>
    %reduce_min3A = arith.constant dense<0x7F800000> : vector<448xf32>
    %reduce_min3A_15 = vector.multi_reduction <minimumf>, %sub3A, %reduce_min3A [1] : vector<448x8192xf32> to vector<448xf32>
    %broadcast_in_dim3A_16 = vector.shape_cast %reduce_min3A_15 : vector<448xf32> to vector<448x1xf32>
    %iota3A = tpu.iota {dimensions = array<i32: 1>} : vector<448x8192xi32>
    %eq3A = vector.broadcast %broadcast_in_dim3A_16 : vector<448x1xf32> to vector<448x8192xf32>
    %eq3A_17 = arith.cmpf oeq, %sub3A, %eq3A : vector<448x8192xf32>
    %jit3A = arith.constant 1073741824 : i32
    %broadcast_in_dim3A_18 = vector.broadcast %jit3A : i32 to vector<448x8192xi32>
    %select_n3A = arith.select %eq3A_17, %iota3A, %broadcast_in_dim3A_18 : vector<448x8192xi1>, vector<448x8192xi32>
    %reduce_min3A_19 = arith.constant dense<2147483647> : vector<448xi32>
    %reduce_min3A_20 = vector.multi_reduction <minsi>, %select_n3A, %reduce_min3A_19 [1] : vector<448x8192xi32> to vector<448xi32>
    %broadcast_in_dim3A_21 = vector.shape_cast %reduce_min3A_20 : vector<448xi32> to vector<448x1xi32>
    %swap3A = arith.constant 0 : index
    %swap3A_22 = arith.constant 0 : index
    %swap3A_23 = vector.load %arg4[%swap3A, %swap3A_22] : memref<448x1xi32, #tpu.memory_space<vmem>>, vector<448x1xi32>
    tpu.vector_store %arg4[%swap3A, %swap3A_22], %broadcast_in_dim3A_21 {strides = array<i32>} : memref<448x1xi32, #tpu.memory_space<vmem>>, vector<448x1xi32>,
    %reduce_sum3A_24 = vector.shape_cast %broadcast_in_dim3A_16 : vector<448x1xf32> to vector<1x448x1xf32>
    %reduce_sum3A_25 = arith.constant dense<0.000000e+00> : vector<1xf32>
    %reduce_sum3A_26 = vector.multi_reduction <add>, %reduce_sum3A_24, %reduce_sum3A_25 [1, 2] : vector<1x448x1xf32> to vector<1xf32>
    %reduce_sum3A_27 = vector.shape_cast %reduce_sum3A_26 : vector<1xf32> to vector<1x1x1xf32>
    %reduce_sum3A_28 = vector.extract %reduce_sum3A_27[0, 0, 0] : f32 from vector<1x1x1xf32>
    %eq3A_29 = arith.constant 0 : i32
    %eq3A_30 = arith.cmpi eq, %arg0, %eq3A_29 : i32
    %convert_element_type3A = arith.extui %eq3A_30 : i1 to i32
    %cond3A = arith.constant 0 : i32
    %cond3A_31 = arith.cmpi ne, %convert_element_type3A, %cond3A : i32
    scf.if %cond3A_31 {
      %swap3A_41 = arith.constant 0 : index
      %swap3A_42 = memref.load %arg6[%swap3A_41] : memref<1xf32, #tpu.memory_space<smem>>
      memref.store %reduce_sum3A_28, %arg6[%swap3A_41] : memref<1xf32, #tpu.memory_space<smem>>
    } else {
    }
    %gt3A = arith.constant 0 : i32
    %gt3A_32 = arith.cmpi sgt, %arg0, %gt3A : i32
    %convert_element_type3A_33 = arith.extui %gt3A_32 : i1 to i32
    %cond3A_34 = arith.constant 0 : i32
    %cond3A_35 = arith.cmpi ne, %convert_element_type3A_33, %cond3A_34 : i32
    scf.if %cond3A_35 {
      %get3A_41 = arith.constant 0 : index
      %get3A_42 = memref.load %arg6[%get3A_41] : memref<1xf32, #tpu.memory_space<smem>>
      %add3A_43 = arith.addf %get3A_42, %reduce_sum3A_28 : f32
      %swap3A_44 = arith.constant 0 : index
      %swap3A_45 = memref.load %arg6[%swap3A_44] : memref<1xf32, #tpu.memory_space<smem>>
      memref.store %add3A_43, %arg6[%swap3A_44] : memref<1xf32, #tpu.memory_space<smem>>
    } else {
    }
    %eq3A_36 = arith.constant 13 : i32
    %eq3A_37 = arith.cmpi eq, %arg0, %eq3A_36 : i32
    %convert_element_type3A_38 = arith.extui %eq3A_37 : i1 to i32
    %cond3A_39 = arith.constant 0 : i32
    %cond3A_40 = arith.cmpi ne, %convert_element_type3A_38, %cond3A_39 : i32
    scf.if %cond3A_40 {
      %get3A_41 = arith.constant 0 : index
      %get3A_42 = memref.load %arg6[%get3A_41] : memref<1xf32, #tpu.memory_space<smem>>
      %mul3A_43 = arith.constant 1.55701926E-7 : f32
      %mul3A_44 = arith.mulf %get3A_42, %mul3A_43 : f32
      %reshape3A = vector.broadcast %mul3A_44 : f32 to vector<1x1xf32>
      %swap3A_45 = arith.constant 0 : index
      %swap3A_46 = arith.constant 0 : index
      %swap3A_47 = vector.load %arg5[%swap3A_45, %swap3A_46] : memref<1x1xf32, #tpu.memory_space<vmem>>, vector<1x1xf32>
      tpu.vector_store %arg5[%swap3A_45, %swap3A_46], %reshape3A {strides = array<i32>} : memref<1x1xf32, #tpu.memory_space<vmem>>, vector<1x1xf32>,
    } else {
    }
    return
  }
  func.func @transform_0(%arg0: i32) -> (i32, i32) {
    %c0_i32 = arith.constant 0 : i32
    %c0_i32_0 = arith.constant 0 : i32
    %c0_i32_1 = arith.constant 0 : i32
    return %c0_i32, %c0_i32_0 : i32, i32
  }
  func.func @transform_1(%arg0: i32) -> (i32, i32) {
    %c0_i32 = arith.constant 0 : i32
    %c0_i32_0 = arith.constant 0 : i32
    return %arg0, %c0_i32 : i32, i32
  }
  func.func @transform_2(%arg0: i32) -> (i32, i32) {
    %c0_i32 = arith.constant 0 : i32
    %c0_i32_0 = arith.constant 0 : i32
    %c0_i32_1 = arith.constant 0 : i32
    return %c0_i32, %c0_i32_0 : i32, i32
  }
  func.func @transform_3(%arg0: i32) -> (i32, i32) {
    %c0_i32 = arith.constant 0 : i32
    %c0_i32_0 = arith.constant 0 : i32
    return %arg0, %c0_i32 : i32, i32
  }
  func.func @transform_4(%arg0: i32) -> (i32, i32) {
    %c0_i32 = arith.constant 0 : i32
    %c0_i32_0 = arith.constant 0 : i32
    %c0_i32_1 = arith.constant 0 : i32
    return %c0_i32, %c0_i32_0 : i32, i32
  }
}

</mosaic_0001>

<sc_bundles>
// kernel: kernel.4.cloned.1.call-start
scs
__scs_entry_jumppad:
0x0: {  	(pc) =	sbr.rel $0x88, $3  }
0x1: {  	(tag) =	ssettag $0x0;
	lr =	simm.s32 $0x1  }
0x2: {  	[smem:$0x3F9F] =	sst lr;
	_ =	strace $0xD0000000  }
0x3: {  	_ = 	snop  }
0x4: {  	_ = 	snop  }
0x5: {  	_ = 	snop  }
0x6: {  	_ = 	snop  }
0x7: {  	_ = 	snop  }
__scs_overlays_trampoline_lowered:
0x8: {  	[smem:$0x3FAE] =	sst s0  }
0x9: {  	[smem:$0x3FAF] =	sst s1  }
0xa: {  	[smem:$0x3FB0] =	sst s2  }
0xb: {  	[smem:$0x3FB1] =	sst s3  }
0xc: {  	[smem:$0x3FB2] =	sst s4  }
0xd: {  	[smem:$0x3FB3] =	sst s5  }
0xe: {  	[smem:$0x3FB4] =	sst s6  }
0xf: {  	[smem:$0x3FB5] =	sst s7  }
0x10: {  	[smem:$0x3FB6] =	sst s8  }
0x11: {  	[smem:$0x3FB7] =	sst s9;
	s0 =	simm.s32 @!p0 $0x0  }
0x12: {  	s1 =	sld [smem:$0x3F9D];
	s0 =	simm.s32 @p0 $0x1  }
0x13: {  	[smem:$0x3FB8] =	sst s0;
	s0 =	simm.s32 @!p1 $0x0  }
0x14: {  	s2 =	sld [smem:$0x3F9C];
	s0 =	simm.s32 @p1 $0x1  }
0x15: {  	[smem:$0x3FB9] =	sst s0;
	s0 =	simm.s32 @!p2 $0x0  }
0x16: {  	s3 =	sld [smem:$0x3FDB];
	s0 =	simm.s32 @p2 $0x1  }
0x17: {  	s4 =	simm.s32 $0x1BF5;
	[smem:$0x3FBB] =	sst s0  }
0x18: {  	s0 =	sld [smem:$0x3F9E];
	_ =	swait.ge [sflag:s4], $0x0  }
0x19: {  	s7 =	sld [smem:$0x3F9F]  }
0x1a: {  	s8 =	sadd.s32 $0xFFFFE003, lr  }
0x1b: {  	s9 =	sadd.s32 $0xFFFFFEF7, lr;
	s5 =	simm.s32 $0xFFFFFFFF;
	p2 =	slt.u32 s8, $0xFFFFF086  }
0x1c: {  	p1 =	slt.u32 s9, $0xF7A;
	s5 =	simm.s32 @!p2 $0x0  }
0x1d: {  	s5 =	simm.s32 @p1 $0x1;
	p0 =	seq.s32 s7, s2  }
0x1e: {  	s7 =	smul.u32 @!p0 $0xF7A, s2;
	p2 =	seq.s32 @!p0 s5, $0x0  }
0x1f: {  	s9 =	smul.u32 $0xF7A, s1;
	s8 =	simm.s32 @!p0 $0x1BF5;
	p2 =	por !p2, p0  }
0x20: {  	[sflag:s8] =	ssyncset.s32 @!p0 $0xFFFFF086;
	s6 =	sadd.s32 @!p0 s3, s7;
	s7 =	simm.s32 @!p0 $0x108  }
0x21: {  	s3 =	sadd.s32 s3, s9;
	s6 =	sadd.s32 @!p0 $0x88, s6;
	s7 =	simm.s32 @p2 $0x1082  }
0x22: {  	[simem:s7], [sflag:s8] =	dma.local @!p0 [hbm:s6], $0xF7A  }
0x23: {  	s9 =	sor.u32 $0xD0000000, s2;
	s6 =	simm.s32 $0x108;
	_ =	swait.ge @!p0 [sflag:s8], $0x0  }
0x24: {  	s3 =	sadd.s32 $0x88, s3;
	s6 =	simm.s32 @!p1 $0x1082;
	[sflag:s4] =	ssyncset.s32 $0xFFFFF086  }
0x25: {  	[simem:s6], [sflag:s4] =	dma.local [hbm:s3], $0xF7A  }
0x26: {  	[smem:$0x3F9F] =	sst s1;
	(tag) =	ssettag s2;
	_ =	strace s9  }
0x27: {  	s1 =	sld [smem:$0x3FAF]  }
0x28: {  	s2 =	sld [smem:$0x3FB0]  }
0x29: {  	s4 =	sld [smem:$0x3FB2]  }
0x2a: {  	p0 =	seq.s32 s5, $0x0;
	s5 =	sld [smem:$0x3FB3]  }
0x2b: {  	s6 =	sld [smem:$0x3FB4]  }
0x2c: {  	s7 =	sld [smem:$0x3FB5]  }
0x2d: {  	s3 =	simm.s32 $0x108;
	s8 =	sld [smem:$0x3FB6]  }
0x2e: {  	s3 =	simm.s32 @!p0 $0x1082;
	s9 =	sld [smem:$0x3FB7]  }
0x2f: {  	lr =	sadd.s32 s0, s3;
	s0 =	sld [smem:$0x3FAE]  }
0x30: {  	s3 =	sld [smem:$0x3FB1]  }
0x31: {  	[smem:$0x3FBA] =	sst s10  }
0x32: {  	s10 =	sld [smem:$0x3FB8];
	_ =	sdelay $0x3  }
0x33: {  	p0 =	seq.s32 s10, $0x1;
	s10 =	sld [smem:$0x3FBA];
	_ =	sdelay $0x3  }
0x34: {  	[smem:$0x3FBA] =	sst s10  }
0x35: {  	s10 =	sld [smem:$0x3FB9];
	_ =	sdelay $0x3  }
0x36: {  	p1 =	seq.s32 s10, $0x1;
	s10 =	sld [smem:$0x3FBA];
	_ =	sdelay $0x3  }
0x37: {  	[smem:$0x3FBA] =	sst s10  }
0x38: {  	s10 =	sld [smem:$0x3FBB]  }
0x39: {  	_ = 	snop;
	(pc) =	sbr.ind lr, $3  }
0x3a: {  	_ = 	snop  }
0x3b: {  	_ = 	snop  }
0x3c: {  	p2 =	seq.s32 s10, $0x1;
	s10 =	sld [smem:$0x3FBA]  }
0x3d: {  	_ =	shalt  }
0x3e: {  	_ =	shalt  }
0x3f: {  	_ =	shalt  }
0x40: {  	_ =	shalt  }
0x41: {  	_ =	shalt  }
0x42: {  	_ =	shalt  }
0x43: {  	_ =	shalt  }
0x44: {  	_ =	shalt  }
0x45: {  	_ =	shalt  }
0x46: {  	_ =	shalt  }
0x47: {  	_ =	shalt  }
0x48: {  	_ =	shalt  }
0x49: {  	_ =	shalt  }
0x4a: {  	_ =	shalt  }
0x4b: {  	_ =	shalt  }
0x4c: {  	_ =	shalt  }
0x4d: {  	_ =	shalt  }
0x4e: {  	_ =	shalt  }
0x4f: {  	_ =	shalt  }
0x50: {  	_ =	shalt  }
0x51: {  	_ =	shalt  }
0x52: {  	_ =	shalt  }
0x53: {  	_ =	shalt  }
0x54: {  	_ =	shalt  }
0x55: {  	_ =	shalt  }
0x56: {  	_ =	shalt  }
0x57: {  	_ =	shalt  }
0x58: {  	_ =	shalt  }
0x59: {  	_ =	shalt  }
0x5a: {  	_ =	shalt  }
0x5b: {  	_ =	shalt  }
0x5c: {  	_ =	shalt  }
0x5d: {  	_ =	shalt  }
0x5e: {  	_ =	shalt  }
0x5f: {  	_ =	shalt  }
0x60: {  	_ =	shalt  }
0x61: {  	_ =	shalt  }
0x62: {  	_ =	shalt  }
0x63: {  	_ =	shalt  }
0x64: {  	_ =	shalt  }
0x65: {  	_ =	shalt  }
0x66: {  	_ =	shalt  }
0x67: {  	_ =	shalt  }
0x68: {  	_ =	shalt  }
0x69: {  	_ =	shalt  }
0x6a: {  	_ =	shalt  }
0x6b: {  	_ =	shalt  }
0x6c: {  	_ =	shalt  }
0x6d: {  	_ =	shalt  }
0x6e: {  	_ =	shalt  }
0x6f: {  	_ =	shalt  }
0x70: {  	_ =	shalt  }
0x71: {  	_ =	shalt  }
0x72: {  	_ =	shalt  }
0x73: {  	_ =	shalt  }
0x74: {  	_ =	shalt  }
0x75: {  	_ =	shalt  }
0x76: {  	_ =	shalt  }
0x77: {  	_ =	shalt  }
0x78: {  	_ =	shalt  }
0x79: {  	_ =	shalt  }
0x7a: {  	_ =	shalt  }
0x7b: {  	_ =	shalt  }
0x7c: {  	_ =	shalt  }
0x7d: {  	_ =	shalt  }
0x7e: {  	_ =	shalt  }
0x7f: {  	_ =	shalt  }
0x80: {  	_ =	shalt  }
0x81: {  	_ =	shalt  }
0x82: {  	_ =	shalt  }
0x83: {  	_ =	shalt  }
0x84: {  	_ =	shalt  }
0x85: {  	_ =	shalt  }
0x86: {  	_ =	shalt  }
0x87: {  	_ =	shalt  }
.Lfunc_end0:
.L_simem_size_0:
called_computation_lowered:
.L_overlay_start_0:
0x88: {  	s2 =	sld [smem:$0x3FD9]  }
0x89: {  	s3 =	sld [smem:$0x3FFE];
	_ =	sdelay $0x1  }
0x8a: {  	s1 =	srdreg.scid  }
0x8b: {  	s0 =	sand.u32 $0x1, s1  }
0x8c: {  	s14 =	sshll.u32 s0, $0xA;
	s2 =	sadd.s32 s3, s2  }
0x8d: {  	s2 =	sadd.s32 s2, s14  }
0x8e: {  	[smem:$0x3FC6] =	sst s2  }
0x8f: {  	_ = 	snop  }
0x90: {  	s2 =	sld [smem:$0x3FD0];
	_ =	sdelay $0x2  }
0x91: {  	s15 =	simm.s32 $0xA;
	s4 =	simm.s32 $0x10  }
0x92: {  	[smem:s4], [sflag:s15] =	dma.local [hbm:s2], $0x1  }
0x93: {  	_ =	swait.eq [sflag:s15], $0x1  }
0x94: {  	[sflag:s15] =	ssyncset.done $0x0  }
0x95: {  	[sflag:s15] =	ssyncadd.s32 $0xFFFFFFFF  }
0x96: {  	s16 =	sld [smem:$0x11];
	(tm) =	ssettm $0x1  }
0x97: {  	s17 =	sld [smem:$0x3FFB];
	_ =	sdelay $0x3  }
0x98: {  	_ =	strace s17  }
0x99: {  	s3 =	sld [smem:$0x3FFC];
	_ =	sdelay $0x3  }
0x9a: {  	_ =	strace s3  }
0x9b: {  	s3 =	sld [smem:$0x3FFD];
	_ =	sdelay $0x3  }
0x9c: {  	_ =	strace s3  }
0x9d: {  	_ =	strace $0x8FFFFFFF  }
0x9e: {  	s18 =	sld [smem:$0x3FDB];
	_ =	sdelay $0x1  }
0x9f: {  	s19 =	simm.s32 $_scs_section_size  }
0xa0: {  	s5 =	simm.s32 $_size__tile_overlayer_lowered;
	s6 =	simm.s32 $_tile_overlayer_lowered  }
0xa1: {  	s22 =	simm.s32 $0x1BFF;
	s21 =	sshll.u32 s6, $0x1;
	s3 =	sadd.s32 s19, s18  }
0xa2: {  	s7 =	simm.s32 $0x0;
	s20 =	sshll.u32 s5, $0x1;
	s5 =	sadd.s32 s21, s3  }
0xa3: {  	[timem:s7], [sflag:s22] =	dma.local [hbm:s5], s20  }
0xa4: {  	_ =	swait.ge [sflag:s22], s20  }
0xa5: {  	s4 =	ssub.s32 $0x0, s20;
	[sflag:s22] =	ssyncset.done $0x0  }
0xa6: {  	[sflag:s22] =	ssyncadd.s32 s4;
	_ =	sdelay $0x1  }
0xa7: {  	s23 =	simm.s32 $0x1B8B  }
0xa8: {  	_ =	swait.ge [sflag:s23], $0x1  }
0xa9: {  	[sflag:s23] =	ssyncset.done $0x0  }
0xaa: {  	s25 =	simm.s32 $0x1B8E;
	s24 =	sld [smem:$0x3FFE];
	[sflag:s23] =	ssyncadd.s32 $0xFFFFFFFF  }
0xab: {  	s26 =	simm.s32 $execute0_lowered;
	[smem:$0x3FD2] =	sst s25  }
0xac: {  	s5 =	sshll.u32 s26, $0x1;
	_ =	strace $0x80000046;
	[dreg:$0x1] =	wrdreg $0xFFFFFFFF  }
0xad: {  	s28 =	simm.s32 $_size_execute0_lowered;
	s3 =	sadd.s32 s3, s5;
	[dreg:$0x0] =	wrdreg $0x0  }
0xae: {  	s5 =	sshll.u32 s28, $0x1;
	[dreg:$0x2] =	wrdreg s3  }
0xaf: {  	[dreg:$0x3] =	wrdreg s5  }
0xb0: {  	[dreg:$0x4] =	wrdreg $0xC0  }
0xb1: {  	_ =	task [dreg:s7], $0x5FFFF  }
0xb2: {  	[dreg:$0x1] =	wrdreg $0xFFFFFFFF  }
0xb3: {  	[dreg:$0x0] =	wrdreg $0x60  }
0xb4: {  	[dreg:$0x2] =	wrdreg s24  }
0xb5: {  	[dreg:$0x3] =	wrdreg s16  }
0xb6: {  	[dreg:$0x4] =	wrdreg $0x9  }
0xb7: {  	_ =	task.clear_ibuf [dreg:s7], $0x5FFFF;
	_ =	strace $0x90000046  }
0xb8: {  	s29 =	simm.s32 $0x9;
	_ =	strace $0x80000048  }
0xb9: {  	_ =	swait.ge [sflag:s29], $0x1  }
0xba: {  	[sflag:s29] =	ssyncadd.s32 $0xFFFFFFFF  }
0xbb: {  	_ =	strace $0x90000048  }
0xbc: {  	_ =	sfence  }
0xbd: {  	s30 =	sld [smem:$0x0];
	_ =	sdelay $0x2  }
0xbe: {  	s31 =	sshll.u32 s1, $0xD;
	s1 =	sshrl.u32 s1, $0x2  }
0xbf: {  	s3 =	sand.u32 $0x4000, s31;
	s1 =	sadd.s32 s1, s30  }
0xc0: {  	s0 =	sor.u32 s3, s0;
	s1 =	sshll.u32 s1, $0x11  }
0xc1: {  	s0 =	sor.u32 s1, s0  }
0xc2: {  	s0 =	sadd.s32 $0x8F2B, s0  }
0xc3: {  	[sflag:s0] =	ssyncadd.remote.s32 $0x1  }
0xc4: {  	_ =	sfence.sel $0xFFFF  }
0xc5: {  	[dreg:$0x0] =	wrdreg $0xFFFFFFFF;
	(pc) =	sbr.abs _section_cstart, $3  }
0xc6: {  	[dreg:$0x1] =	wrdreg $0xFFFFFFFF  }
0xc7: {  	_ =	task.clear_ibuf [dreg:s7], $0x2FFFF;
	_ =	strace $0x9FFFFFFF  }
0xc8: {  	(tm) =	ssettm $0x7FFFFFFF  }
0xc9: {  	_ =	shalt  }
tec
execute0_lowered:
.L_overlay_start_1:
0x0: {  	(tag) =	ssettag $0x1  }
0x1: {  	s3 =	rddreg [dreg:$0x0]  }
0x2: {  	s5 =	rddreg [dreg:$0x1]  }
0x3: {  	s0 =	rddreg [dreg:$0x2];
	s2 =	simm.s32 $0x0;
	s4 =	srdreg.scid  }
0x4: {  	s1 =	stileid.u32;
	s9 =	simm.s32 $0x1;
	s10 =	simm.s32 $0x11880  }
0x5: {  	[smem:$0x7FF] =	sst s2;
	s4 =	sand.u32 $0x1, s4;
	s6 =	sshll.u32 s1, $0x1  }
0x6: {  	s11 =	simm.s32 $0x0;
	_ =	strace $0x80000047;
	s6 =	sor.u32 s4, s6  }
0x7: {  	s4 =	ssub.s32 $0x2, s4;
	s7 =	sshll.u32 s6, $0xD;
	s6 =	smul.u32 $0x1880, s6  }
0x8: {  	s8 =	sshrl.u32 s4, $0x1;
	s7 =	sadd.s32 s7, s3;
	s3 =	sadd.s32 $0x40A00, s3  }
0x9: {  	s8 =	ssub.s32 s4, s8;
	s4 =	sadd.s32 $0xA00, s7;
	s5 =	sadd.s32 s5, s6  }
0xa: {  	s6 =	smax.u32 s8, $0x1;
	s7 =	simm.s32 $0x10000;
	s8 =	simm.s32 $0x2  }
.LBB2_1:
0xb: {  	[tilespmem:s2], [sflag:$0x1] =	stream.linear.gather [hbm4b:s4+s2], $0x10000, $0x38;
	[tilespmem:$0x1DC80] =	vst v63  }
0xc: {  	_ = 	snop  }
0xd: {  	[tilespmem:s7], [sflag:$0x2] =	stream.linear.gather [hbm4b:s3+s2], $0x1880, $0x38;
	[tilespmem:$0x1DC80] =	vst v63  }
0xe: {  	_ =	swait.ge [sflag:s8], $0x1880  }
0xf: {  	[sflag:s8] =	ssyncset.done $0x0  }
0x10: {  	[sflag:s8] =	ssyncadd.s32 $0xFFFFE780  }
0x11: {  	_ =	swait.ge [sflag:s9], $0x10000  }
0x12: {  	[sflag:s9] =	ssyncset.done $0x0  }
0x13: {  	s12 =	simm.s32 $0x10040;
	[sflag:s9] =	ssyncadd.s32 $0xFFFF0000  }
0x14: {  	v0 =	vld [tilespmem:s12+$0x30];
	_ =	sdelay $0x3  }
0x15: {  	v1 =	vld [tilespmem:s12+$0xFFFFFFD0]  }
0x16: {  	v2 =	vshll.u32 v0, $0x3  }
0x17: {  	v3 =	vld [tilespmem:s12+$0xFFFFFFE0];
	v0 =	vand.u32 $0x7F, v0;
	v2 =	vand.u32 $0xFFFFFC00, v2  }
0x18: {  	v5 =	vld [tilespmem:s12+$0xFFFFFFC0];
	v4 =	vor.u32 v0, v2;
	_ =	sdelay $0x1  }
0x19: {  	v2 =	vld [tilespmem:s12+$0xFFFFFFF0];
	v0 =	vshll.u32 v1, $0x3  }
0x1a: {  	v7 =	vld [tilespmem:s12+$0x10];
	v1 =	vand.u32 $0x7F, v1;
	v8 =	vand.u32 $0xFFFFFC00, v0  }
0x1b: {  	v6 =	vld [tilespmem:s12+$0x0];
	v0 =	vshll.u32 v3, $0x3;
	v1 =	vor.u32 v1, v8  }
0x1c: {  	v11 =	vor.u32 $0x80, v4;
	v9 =	vand.u32 $0xFFFFFC00, v0;
	v0 =	vshll.u32 v5, $0x3;
	v10 =	vld.idx.msk [tilespmem:v4+s2+$0x0], $0xffff  }
0x1d: {  	v12 =	vld [tilespmem:s12+$0x20];
	v3 =	vand.u32 $0x7F, v3;
	v5 =	vand.u32 $0x7F, v5;
	v0 =	vand.u32 $0xFFFFFC00, v0  }
0x1e: {  	v0 =	vor.u32 v5, v0;
	v13 =	vshll.u32 v2, $0x3;
	v8 =	vand.u32 $0x7F, v2  }
0x1f: {  	v2 =	vor.u32 v3, v9;
	v9 =	vshll.u32 v7, $0x3;
	v5 =	vand.u32 $0xFFFFFC00, v13  }
0x20: {  	s12 =	simm.s32 $0x11A80;
	v13 =	vshll.u32 v6, $0x3;
	v3 =	vor.u32 v8, v5;
	v5 =	vand.u32 $0xFFFFFC00, v9;
	v9 =	vld.idx.msk [tilespmem:v1+s2+$0x0], $0xffff  }
0x21: {  	v15 =	vor.u32 $0x80, v1;
	v6 =	vand.u32 $0x7F, v6;
	v13 =	vand.u32 $0xFFFFFC00, v13;
	[tilespmem:s12+$0xFFFFFE70] =	vst v10  }
0x22: {  	v7 =	vand.u32 $0x7F, v7;
	v8 =	vshll.u32 v12, $0x3;
	v10 =	vor.u32 v6, v13;
	v6 =	vld.idx.msk [tilespmem:v11+s2+$0x0], $0xffff  }
0x23: {  	v11 =	vor.u32 v7, v5;
	v5 =	vld.idx.msk [tilespmem:v0+s2+$0x0], $0xffff;
	v7 =	vand.u32 $0xFFFFFC00, v8;
	v8 =	vand.u32 $0x7F, v12  }
0x24: {  	v13 =	vor.u32 $0x100, v4;
	v12 =	vor.u32 v8, v7;
	v7 =	vld.idx.msk [tilespmem:v2+s2+$0x0], $0xffff  }
0x25: {  	v8 =	vor.u32 $0x80, v0;
	v14 =	vld.idx.msk [tilespmem:v3+s2+$0x0], $0xffff;
	[tilespmem:s12+$0xFFFFFE10] =	vst v9  }
0x26: {  	v15 =	vld.idx.msk [tilespmem:v15+s2+$0x0], $0xffff  }
0x27: {  	v17 =	vor.u32 $0x80, v2;
	v16 =	vld.idx.msk [tilespmem:v10+s2+$0x0], $0xffff  }
0x28: {  	v18 =	vld.idx.msk [tilespmem:v11+s2+$0x0], $0xffff;
	[tilespmem:s12+$0xFFFFFEF0] =	vst v6;
	v6 =	vor.u32 $0x80, v3  }
0x29: {  	[tilespmem:s12+$0xFFFFFE00] =	vst v5;
	v5 =	vld.idx.msk [tilespmem:v13+s2+$0x0], $0xffff;
	v13 =	vor.u32 $0x80, v10  }
0x2a: {  	v19 =	vor.u32 $0x80, v11;
	v8 =	vld.idx.msk [tilespmem:v8+s2+$0x0], $0xffff;
	[tilespmem:s12+$0xFFFFFE20] =	vst v7  }
0x2b: {  	v9 =	vld.idx.msk [tilespmem:v12+s2+$0x0], $0xffff;
	v7 =	vor.u32 $0x180, v4;
	[tilespmem:s12+$0xFFFFFE30] =	vst v14  }
0x2c: {  	v14 =	vor.u32 $0x80, v12;
	v17 =	vld.idx.msk [tilespmem:v17+s2+$0x0], $0xffff;
	[tilespmem:s12+$0xFFFFFE40] =	vst v16  }
0x2d: {  	v16 =	vor.u32 $0x100, v0;
	v6 =	vld.idx.msk [tilespmem:v6+s2+$0x0], $0xffff;
	[tilespmem:s12+$0xFFFFFE50] =	vst v18  }
0x2e: {  	v18 =	vor.u32 $0x100, v1;
	v13 =	vld.idx.msk [tilespmem:v13+s2+$0x0], $0xffff;
	[tilespmem:s12+$0xFFFFFF70] =	vst v5  }
0x2f: {  	v5 =	vor.u32 $0x100, v2;
	[tilespmem:s12+$0xFFFFFE80] =	vst v8;
	v8 =	vld.idx.msk [tilespmem:v19+s2+$0x0], $0xffff  }
0x30: {  	[tilespmem:s12+$0xFFFFFE60] =	vst v9;
	v9 =	vor.u32 $0x100, v3;
	v7 =	vld.idx.msk [tilespmem:v7+s2+$0x0], $0xffff  }
0x31: {  	[tilespmem:s12+$0xFFFFFE90] =	vst v15;
	v19 =	vor.u32 $0x100, v10;
	v14 =	vld.idx.msk [tilespmem:v14+s2+$0x0], $0xffff  }
0x32: {  	[tilespmem:s12+$0xFFFFFEA0] =	vst v17;
	v17 =	vor.u32 $0x100, v11;
	v16 =	vld.idx.msk [tilespmem:v16+s2+$0x0], $0xffff  }
0x33: {  	v15 =	vor.u32 $0x200, v4;
	v18 =	vld.idx.msk [tilespmem:v18+s2+$0x0], $0xffff;
	[tilespmem:s12+$0xFFFFFEB0] =	vst v6  }
0x34: {  	v6 =	vor.u32 $0x100, v12;
	v5 =	vld.idx.msk [tilespmem:v5+s2+$0x0], $0xffff;
	[tilespmem:s12+$0xFFFFFEC0] =	vst v13  }
0x35: {  	v13 =	vor.u32 $0x180, v0;
	v9 =	vld.idx.msk [tilespmem:v9+s2+$0x0], $0xffff;
	[tilespmem:s12+$0xFFFFFED0] =	vst v8  }
0x36: {  	[tilespmem:s12+$0xFFFFFFF0] =	vst v7;
	v7 =	vor.u32 $0x180, v1;
	v19 =	vld.idx.msk [tilespmem:v19+s2+$0x0], $0xffff  }
0x37: {  	[tilespmem:s12+$0xFFFFFEE0] =	vst v14;
	v14 =	vld.idx.msk [tilespmem:v17+s2+$0x0], $0xffff;
	v17 =	vor.u32 $0x180, v3  }
0x38: {  	v8 =	vld.idx.msk [tilespmem:v15+s2+$0x0], $0xffff;
	v15 =	vor.u32 $0x180, v2;
	[tilespmem:s12+$0xFFFFFF00] =	vst v16  }
0x39: {  	v16 =	vor.u32 $0x280, v4;
	[tilespmem:s12+$0xFFFFFF10] =	vst v18;
	v6 =	vld.idx.msk [tilespmem:v6+s2+$0x0], $0xffff  }
0x3a: {  	v18 =	vor.u32 $0x180, v10;
	v13 =	vld.idx.msk [tilespmem:v13+s2+$0x0], $0xffff;
	[tilespmem:s12+$0xFFFFFF20] =	vst v5  }
0x3b: {  	v5 =	vor.u32 $0x180, v11;
	[tilespmem:s12+$0xFFFFFF30] =	vst v9;
	v7 =	vld.idx.msk [tilespmem:v7+s2+$0x0], $0xffff  }
0x3c: {  	v9 =	vor.u32 $0x180, v12;
	[tilespmem:s12+$0xFFFFFF40] =	vst v19;
	v17 =	vld.idx.msk [tilespmem:v17+s2+$0x0], $0xffff  }
0x3d: {  	v15 =	vld.idx.msk [tilespmem:v15+s2+$0x0], $0xffff;
	[tilespmem:s12+$0x70] =	vst v8;
	v8 =	vor.u32 $0x200, v0  }
0x3e: {  	v19 =	vor.u32 $0x200, v1;
	[tilespmem:s12+$0xFFFFFF50] =	vst v14;
	v16 =	vld.idx.msk [tilespmem:v16+s2+$0x0], $0xffff  }
0x3f: {  	v14 =	vld.idx.msk [tilespmem:v18+s2+$0x0], $0xffff;
	[tilespmem:s12+$0xFFFFFF60] =	vst v6;
	v6 =	vor.u32 $0x300, v4  }
0x40: {  	v18 =	vor.u32 $0x200, v2;
	[tilespmem:s12+$0xFFFFFF80] =	vst v13;
	v5 =	vld.idx.msk [tilespmem:v5+s2+$0x0], $0xffff  }
0x41: {  	v13 =	vor.u32 $0x200, v3;
	[tilespmem:s12+$0xFFFFFF90] =	vst v7;
	v7 =	vld.idx.msk [tilespmem:v9+s2+$0x0], $0xffff  }
0x42: {  	v9 =	vor.u32 $0x200, v10;
	v8 =	vld.idx.msk [tilespmem:v8+s2+$0x0], $0xffff;
	[tilespmem:s12+$0xFFFFFFA0] =	vst v15  }
0x43: {  	v15 =	vor.u32 $0x200, v11;
	v19 =	vld.idx.msk [tilespmem:v19+s2+$0x0], $0xffff;
	[tilespmem:s12+$0xF0] =	vst v16  }
0x44: {  	[tilespmem:s12+$0xFFFFFFB0] =	vst v17;
	v16 =	vor.u32 $0x200, v12;
	v6 =	vld.idx.msk [tilespmem:v6+s2+$0x0], $0xffff  }
0x45: {  	v17 =	vor.u32 $0x280, v0;
	v18 =	vld.idx.msk [tilespmem:v18+s2+$0x0], $0xffff;
	[tilespmem:s12+$0xFFFFFFC0] =	vst v14  }
0x46: {  	v4 =	vor.u32 $0x380, v4;
	v13 =	vld.idx.msk [tilespmem:v13+s2+$0x0], $0xffff;
	[tilespmem:s12+$0xFFFFFFD0] =	vst v5  }
0x47: {  	v5 =	vor.u32 $0x280, v1;
	v9 =	vld.idx.msk [tilespmem:v9+s2+$0x0], $0xffff;
	[tilespmem:s12+$0xFFFFFFE0] =	vst v7  }
0x48: {  	v7 =	vor.u32 $0x280, v2;
	[tilespmem:s12+$0x0] =	vst v8;
	v8 =	vld.idx.msk [tilespmem:v15+s2+$0x0], $0xffff  }
0x49: {  	v14 =	vor.u32 $0x280, v3;
	[tilespmem:s12+$0x10] =	vst v19;
	v15 =	vld.idx.msk [tilespmem:v16+s2+$0x0], $0xffff  }
0x4a: {  	v16 =	vor.u32 $0x280, v10;
	v17 =	vld.idx.msk [tilespmem:v17+s2+$0x0], $0xffff;
	[tilespmem:s12+$0x170] =	vst v6  }
0x4b: {  	v6 =	vor.u32 $0x280, v11;
	[tilespmem:s12+$0x20] =	vst v18;
	v4 =	vld.idx.msk [tilespmem:v4+s2+$0x0], $0xffff  }
0x4c: {  	v18 =	vor.u32 $0x280, v12;
	v5 =	vld.idx.msk [tilespmem:v5+s2+$0x0], $0xffff;
	[tilespmem:s12+$0x30] =	vst v13  }
0x4d: {  	v13 =	vor.u32 $0x300, v0;
	v7 =	vld.idx.msk [tilespmem:v7+s2+$0x0], $0xffff;
	[tilespmem:s12+$0x40] =	vst v9  }
0x4e: {  	v9 =	vor.u32 $0x300, v1;
	v19 =	vld.idx.msk [tilespmem:v14+s2+$0x0], $0xffff;
	[tilespmem:s12+$0x50] =	vst v8  }
0x4f: {  	v20 =	vor.u32 $0x300, v2;
	v21 =	vld.idx.msk [tilespmem:v16+s2+$0x0], $0xffff;
	[tilespmem:s12+$0x60] =	vst v15  }
0x50: {  	v22 =	vor.u32 $0x300, v3;
	[tilespmem:s12+$0x80] =	vst v17;
	v17 =	vld.idx.msk [tilespmem:v6+s2+$0x0], $0xffff  }
0x51: {  	v23 =	vor.u32 $0x300, v10;
	v15 =	vld.idx.msk [tilespmem:v18+s2+$0x0], $0xffff;
	[tilespmem:s12+$0x1F0] =	vst v4  }
0x52: {  	v14 =	vld.idx.msk [tilespmem:v13+s2+$0x0], $0xffff;
	[tilespmem:s12+$0x90] =	vst v5  }
0x53: {  	v13 =	vld.idx.msk [tilespmem:v9+s2+$0x0], $0xffff;
	[tilespmem:s12+$0xA0] =	vst v7  }
0x54: {  	v8 =	vor.u32 $0x300, v11;
	v6 =	vor.u32 $0x380, v1;
	v1 =	vor.u32 $0x380, v11;
	[tilespmem:s12+$0xB0] =	vst v19;
	v16 =	vld.idx.msk [tilespmem:v20+s2+$0x0], $0xffff  }
0x55: {  	v5 =	vor.u32 $0x380, v2;
	v4 =	vor.u32 $0x380, v3;
	v2 =	vor.u32 $0x380, v10;
	v3 =	vld.idx.msk [tilespmem:v22+s2+$0x0], $0xffff;
	[tilespmem:s12+$0xC0] =	vst v21  }
0x56: {  	s14 =	simm.s32 $0x0;
	s15 =	simm.s32 $0x100C0;
	s13 =	simm.s32 $0x11A80;
	v7 =	vor.u32 $0x380, v0;
	v9 =	vor.u32 $0x300, v12;
	v0 =	vor.u32 $0x380, v12;
	v10 =	vld.idx.msk [tilespmem:v23+s2+$0x0], $0xffff;
	[tilespmem:s12+$0xD0] =	vst v17  }
.LBB2_2:
0x57: {  	v11 =	vld [tilespmem:s15+$0x30];
	s14 =	sadd.s32 $0x8, s14;
	[tilespmem:s12+$0xE0] =	vst v15  }
0x58: {  	v12 =	vld [tilespmem:s15+$0xFFFFFFD0];
	p0 =	slt.u32 s14, $0x180;
	[tilespmem:s12+$0x100] =	vst v14  }
0x59: {  	v14 =	vld [tilespmem:s15+$0xFFFFFFE0];
	[tilespmem:s12+$0x110] =	vst v13  }
0x5a: {  	v13 =	vld [tilespmem:s15+$0xFFFFFFF0];
	[tilespmem:s12+$0x120] =	vst v16  }
0x5b: {  	v15 =	vld [tilespmem:s15+$0x0];
	[tilespmem:s12+$0x130] =	vst v3  }
0x5c: {  	v16 =	vld [tilespmem:s15+$0x10];
	v3 =	vshll.u32 v11, $0x3;
	[tilespmem:s12+$0x140] =	vst v10  }
0x5d: {  	v11 =	vand.u32 $0x7F, v11;
	v10 =	vshll.u32 v12, $0x3;
	v17 =	vld [tilespmem:s15+$0x20];
	v3 =	vand.u32 $0xFFFFFC00, v3  }
0x5e: {  	v18 =	vld [tilespmem:s15+$0xFFFFFFC0];
	v10 =	vand.u32 $0xFFFFFC00, v10;
	v19 =	vshll.u32 v14, $0x3;
	v3 =	vor.u32 v11, v3  }
0x5f: {  	v11 =	vand.u32 $0x7F, v12;
	v12 =	vand.u32 $0xFFFFFC00, v19;
	v19 =	vshll.u32 v13, $0x3;
	v8 =	vld.idx.msk [tilespmem:v8+s2+$0x0], $0xffff  }
0x60: {  	v14 =	vand.u32 $0x7F, v14;
	v19 =	vand.u32 $0xFFFFFC00, v19;
	v20 =	vshll.u32 v15, $0x3;
	v9 =	vld.idx.msk [tilespmem:v9+s2+$0x0], $0xffff  }
0x61: {  	v13 =	vand.u32 $0x7F, v13;
	v20 =	vand.u32 $0xFFFFFC00, v20;
	v21 =	vshll.u32 v16, $0x3;
	v7 =	vld.idx.msk [tilespmem:v7+s2+$0x0], $0xffff  }
0x62: {  	v15 =	vand.u32 $0x7F, v15;
	v21 =	vand.u32 $0xFFFFFC00, v21;
	v22 =	vshll.u32 v17, $0x3;
	v6 =	vld.idx.msk [tilespmem:v6+s2+$0x0], $0xffff  }
0x63: {  	v23 =	vand.u32 $0x7F, v18;
	v18 =	vshll.u32 v18, $0x3;
	v22 =	vand.u32 $0xFFFFFC00, v22;
	v24 =	vld.idx.msk [tilespmem:v3+s2+$0x0], $0xffff  }
0x64: {  	v16 =	vand.u32 $0x7F, v16;
	v17 =	vand.u32 $0x7F, v17;
	v18 =	vand.u32 $0xFFFFFC00, v18;
	v5 =	vld.idx.msk [tilespmem:v5+s2+$0x0], $0xffff  }
0x65: {  	v25 =	vor.u32 v11, v10;
	v10 =	vor.u32 $0x80, v3;
	v23 =	vor.u32 v23, v18;
	v4 =	vld.idx.msk [tilespmem:v4+s2+$0x0], $0xffff;
	[tilespmem:s12+$0x150] =	vst v8  }
0x66: {  	v26 =	vor.u32 v14, v12;
	v27 =	vor.u32 v13, v19;
	v28 =	vor.u32 v15, v20;
	[tilespmem:s12+$0x160] =	vst v9  }
0x67: {  	v21 =	vor.u32 v16, v21;
	v22 =	vor.u32 v17, v22;
	v8 =	vor.u32 $0x80, v23;
	[tilespmem:s12+$0x180] =	vst v7;
	v2 =	vld.idx.msk [tilespmem:v2+s2+$0x0], $0xffff  }
0x68: {  	v29 =	vor.u32 $0x80, v27;
	v9 =	vor.u32 $0x80, v26;
	v7 =	vor.u32 $0x80, v25;
	s12 =	sadd.s32 $0x400, s12;
	[tilespmem:s13+$0x190] =	vst v6;
	v1 =	vld.idx.msk [tilespmem:v1+s2+$0x0], $0xffff  }
0x69: {  	v30 =	vor.u32 $0x80, v28;
	v31 =	vor.u32 $0x80, v21;
	v32 =	vor.u32 $0x80, v22;
	[tilespmem:s12+$0xFFFFFE70] =	vst v24;
	v0 =	vld.idx.msk [tilespmem:v0+s2+$0x0], $0xffff  }
0x6a: {  	v33 =	vor.u32 $0x100, v25;
	v34 =	vor.u32 $0x100, v26;
	v24 =	vor.u32 $0x100, v23;
	v6 =	vld.idx.msk [tilespmem:v10+s2+$0x0], $0xffff;
	[tilespmem:s13+$0x1A0] =	vst v5  }
0x6b: {  	v35 =	vor.u32 $0x100, v27;
	v36 =	vor.u32 $0x100, v28;
	v37 =	vor.u32 $0x100, v21;
	v5 =	vld.idx.msk [tilespmem:v23+s2+$0x0], $0xffff;
	[tilespmem:s13+$0x1B0] =	vst v4  }
0x6c: {  	v39 =	vor.u32 $0x100, v22;
	v38 =	vor.u32 $0x180, v23;
	v10 =	vor.u32 $0x100, v3;
	v4 =	vld.idx.msk [tilespmem:v25+s2+$0x0], $0xffff  }
0x6d: {  	v40 =	vor.u32 $0x180, v25;
	v41 =	vor.u32 $0x180, v26;
	v42 =	vor.u32 $0x180, v27;
	v11 =	vld.idx.msk [tilespmem:v26+s2+$0x0], $0xffff;
	[tilespmem:s13+$0x1C0] =	vst v2  }
0x6e: {  	v43 =	vor.u32 $0x180, v28;
	v44 =	vor.u32 $0x180, v21;
	v45 =	vor.u32 $0x180, v22;
	v2 =	vld.idx.msk [tilespmem:v27+s2+$0x0], $0xffff;
	[tilespmem:s13+$0x1D0] =	vst v1  }
0x6f: {  	v47 =	vor.u32 $0x200, v25;
	v48 =	vor.u32 $0x200, v26;
	v46 =	vor.u32 $0x200, v23;
	v1 =	vld.idx.msk [tilespmem:v28+s2+$0x0], $0xffff;
	[tilespmem:s13+$0x1E0] =	vst v0;
	s13 =	smov.u32 s12  }
0x70: {  	v49 =	vor.u32 $0x200, v27;
	v50 =	vor.u32 $0x200, v28;
	v51 =	vor.u32 $0x200, v21;
	v0 =	vld.idx.msk [tilespmem:v21+s2+$0x0], $0xffff;
	[tilespmem:s12+$0xFFFFFEF0] =	vst v6  }
0x71: {  	v18 =	vor.u32 $0x280, v25;
	v53 =	vor.u32 $0x200, v22;
	v52 =	vor.u32 $0x280, v23;
	[tilespmem:s12+$0xFFFFFE00] =	vst v5;
	v54 =	vld.idx.msk [tilespmem:v10+s2+$0x0], $0xffff  }
0x72: {  	v20 =	vor.u32 $0x280, v26;
	v19 =	vor.u32 $0x280, v27;
	v15 =	vor.u32 $0x280, v28;
	[tilespmem:s12+$0xFFFFFE10] =	vst v4;
	v55 =	vld.idx.msk [tilespmem:v22+s2+$0x0], $0xffff  }
0x73: {  	v57 =	vor.u32 $0x180, v3;
	v17 =	vor.u32 $0x280, v21;
	v16 =	vor.u32 $0x280, v22;
	v56 =	vld.idx.msk [tilespmem:v8+s2+$0x0], $0xffff;
	[tilespmem:s12+$0xFFFFFE20] =	vst v11  }
0x74: {  	v13 =	vor.u32 $0x300, v25;
	v14 =	vor.u32 $0x300, v23;
	v10 =	vor.u32 $0x300, v26;
	v58 =	vld.idx.msk [tilespmem:v7+s2+$0x0], $0xffff;
	[tilespmem:s12+$0xFFFFFE30] =	vst v2  }
0x75: {  	v12 =	vor.u32 $0x300, v27;
	v11 =	vor.u32 $0x300, v28;
	v8 =	vor.u32 $0x300, v21;
	v59 =	vld.idx.msk [tilespmem:v9+s2+$0x0], $0xffff;
	[tilespmem:s12+$0xFFFFFE40] =	vst v1  }
0x76: {  	v6 =	vor.u32 $0x380, v25;
	v7 =	vor.u32 $0x380, v23;
	v9 =	vor.u32 $0x300, v22;
	v23 =	vld.idx.msk [tilespmem:v29+s2+$0x0], $0xffff;
	[tilespmem:s12+$0xFFFFFE50] =	vst v0  }
0x77: {  	v5 =	vor.u32 $0x380, v26;
	v4 =	vor.u32 $0x380, v27;
	v2 =	vor.u32 $0x380, v28;
	v25 =	vld.idx.msk [tilespmem:v30+s2+$0x0], $0xffff;
	[tilespmem:s12+$0xFFFFFF70] =	vst v54  }
0x78: {  	v1 =	vor.u32 $0x380, v21;
	v0 =	vor.u32 $0x380, v22;
	[tilespmem:s12+$0xFFFFFE60] =	vst v55;
	v21 =	vld.idx.msk [tilespmem:v57+s2+$0x0], $0xffff  }
0x79: {  	[tilespmem:s12+$0xFFFFFE80] =	vst v56;
	v22 =	vld.idx.msk [tilespmem:v31+s2+$0x0], $0xffff  }
0x7a: {  	v27 =	vor.u32 $0x200, v3;
	[tilespmem:s12+$0xFFFFFE90] =	vst v58;
	v26 =	vld.idx.msk [tilespmem:v32+s2+$0x0], $0xffff  }
0x7b: {  	v24 =	vld.idx.msk [tilespmem:v24+s2+$0x0], $0xffff;
	[tilespmem:s12+$0xFFFFFEA0] =	vst v59  }
0x7c: {  	v28 =	vld.idx.msk [tilespmem:v33+s2+$0x0], $0xffff;
	[tilespmem:s12+$0xFFFFFEB0] =	vst v23  }
0x7d: {  	v23 =	vld.idx.msk [tilespmem:v34+s2+$0x0], $0xffff;
	[tilespmem:s12+$0xFFFFFEC0] =	vst v25  }
0x7e: {  	v25 =	vld.idx.msk [tilespmem:v35+s2+$0x0], $0xffff;
	[tilespmem:s12+$0xFFFFFFF0] =	vst v21  }
0x7f: {  	[tilespmem:s12+$0xFFFFFED0] =	vst v22;
	v21 =	vld.idx.msk [tilespmem:v27+s2+$0x0], $0xffff  }
0x80: {  	v22 =	vld.idx.msk [tilespmem:v36+s2+$0x0], $0xffff;
	[tilespmem:s12+$0xFFFFFEE0] =	vst v26  }
0x81: {  	v26 =	vor.u32 $0x280, v3;
	[tilespmem:s12+$0xFFFFFF00] =	vst v24;
	v24 =	vld.idx.msk [tilespmem:v37+s2+$0x0], $0xffff  }
0x82: {  	[tilespmem:s12+$0xFFFFFF10] =	vst v28;
	v27 =	vld.idx.msk [tilespmem:v39+s2+$0x0], $0xffff  }
0x83: {  	v28 =	vld.idx.msk [tilespmem:v38+s2+$0x0], $0xffff;
	[tilespmem:s12+$0xFFFFFF20] =	vst v23  }
0x84: {  	v23 =	vld.idx.msk [tilespmem:v40+s2+$0x0], $0xffff;
	[tilespmem:s12+$0xFFFFFF30] =	vst v25  }
0x85: {  	v25 =	vld.idx.msk [tilespmem:v41+s2+$0x0], $0xffff;
	[tilespmem:s12+$0x70] =	vst v21  }
0x86: {  	[tilespmem:s12+$0xFFFFFF40] =	vst v22;
	v21 =	vld.idx.msk [tilespmem:v26+s2+$0x0], $0xffff  }
0x87: {  	v22 =	vld.idx.msk [tilespmem:v42+s2+$0x0], $0xffff;
	[tilespmem:s12+$0xFFFFFF50] =	vst v24  }
0x88: {  	v26 =	vor.u32 $0x300, v3;
	v24 =	vld.idx.msk [tilespmem:v43+s2+$0x0], $0xffff;
	[tilespmem:s12+$0xFFFFFF60] =	vst v27  }
0x89: {  	[tilespmem:s12+$0xFFFFFF80] =	vst v28;
	v27 =	vld.idx.msk [tilespmem:v44+s2+$0x0], $0xffff  }
0x8a: {  	[tilespmem:s12+$0xFFFFFF90] =	vst v23;
	v23 =	vld.idx.msk [tilespmem:v45+s2+$0x0], $0xffff  }
0x8b: {  	v28 =	vld.idx.msk [tilespmem:v46+s2+$0x0], $0xffff;
	[tilespmem:s12+$0xFFFFFFA0] =	vst v25  }
0x8c: {  	v25 =	vld.idx.msk [tilespmem:v47+s2+$0x0], $0xffff;
	[tilespmem:s12+$0xF0] =	vst v21  }
0x8d: {  	[tilespmem:s12+$0xFFFFFFB0] =	vst v22;
	v21 =	vld.idx.msk [tilespmem:v26+s2+$0x0], $0xffff  }
0x8e: {  	v22 =	vld.idx.msk [tilespmem:v48+s2+$0x0], $0xffff;
	[tilespmem:s12+$0xFFFFFFC0] =	vst v24  }
0x8f: {  	v3 =	vor.u32 $0x380, v3;
	v24 =	vld.idx.msk [tilespmem:v49+s2+$0x0], $0xffff;
	[tilespmem:s12+$0xFFFFFFD0] =	vst v27  }
0x90: {  	v26 =	vld.idx.msk [tilespmem:v50+s2+$0x0], $0xffff;
	[tilespmem:s12+$0xFFFFFFE0] =	vst v23  }
0x91: {  	[tilespmem:s12+$0x0] =	vst v28;
	v23 =	vld.idx.msk [tilespmem:v51+s2+$0x0], $0xffff  }
0x92: {  	[tilespmem:s12+$0x10] =	vst v25;
	v25 =	vld.idx.msk [tilespmem:v53+s2+$0x0], $0xffff  }
0x93: {  	v27 =	vld.idx.msk [tilespmem:v52+s2+$0x0], $0xffff;
	[tilespmem:s12+$0x170] =	vst v21  }
0x94: {  	[tilespmem:s12+$0x20] =	vst v22;
	v3 =	vld.idx.msk [tilespmem:v3+s2+$0x0], $0xffff  }
0x95: {  	v18 =	vld.idx.msk [tilespmem:v18+s2+$0x0], $0xffff;
	[tilespmem:s12+$0x30] =	vst v24  }
0x96: {  	v20 =	vld.idx.msk [tilespmem:v20+s2+$0x0], $0xffff;
	[tilespmem:s12+$0x40] =	vst v26  }
0x97: {  	v19 =	vld.idx.msk [tilespmem:v19+s2+$0x0], $0xffff;
	[tilespmem:s12+$0x50] =	vst v23  }
0x98: {  	v21 =	vld.idx.msk [tilespmem:v15+s2+$0x0], $0xffff;
	[tilespmem:s12+$0x60] =	vst v25  }
0x99: {  	[tilespmem:s12+$0x80] =	vst v27;
	v17 =	vld.idx.msk [tilespmem:v17+s2+$0x0], $0xffff  }
0x9a: {  	v15 =	vld.idx.msk [tilespmem:v16+s2+$0x0], $0xffff;
	[tilespmem:s12+$0x1F0] =	vst v3  }
.Ltmp0:
0x9b: {  	v14 =	vld.idx.msk [tilespmem:v14+s2+$0x0], $0xffff;
	[tilespmem:s12+$0x90] =	vst v18;
	(pc) =	sbr.rel @p0 .LBB2_2-.Ltmp0, $4  }
0x9c: {  	v13 =	vld.idx.msk [tilespmem:v13+s2+$0x0], $0xffff;
	[tilespmem:s12+$0xA0] =	vst v20  }
0x9d: {  	v16 =	vld.idx.msk [tilespmem:v10+s2+$0x0], $0xffff;
	[tilespmem:s12+$0xB0] =	vst v19  }
0x9e: {  	v3 =	vld.idx.msk [tilespmem:v12+s2+$0x0], $0xffff;
	[tilespmem:s12+$0xC0] =	vst v21  }
0x9f: {  	s15 =	sadd.s32 $0x80, s15;
	v10 =	vld.idx.msk [tilespmem:v11+s2+$0x0], $0xffff;
	[tilespmem:s12+$0xD0] =	vst v17  }
0xa0: {  	_ =	sdelay $0x2  }
0xa1: {  	[tilespmem:s12+$0xE0] =	vst v15  }
0xa2: {  	[tilespmem:s12+$0x100] =	vst v14;
	v8 =	vld.idx.msk [tilespmem:v8+s2+$0x0], $0xffff  }
0xa3: {  	[tilespmem:s12+$0x110] =	vst v13;
	v9 =	vld.idx.msk [tilespmem:v9+s2+$0x0], $0xffff  }
0xa4: {  	v7 =	vld.idx.msk [tilespmem:v7+s2+$0x0], $0xffff;
	[tilespmem:s12+$0x120] =	vst v16  }
0xa5: {  	v63 =	vld.idx.msk [tilespmem:v6+s2+$0x0], $0xffff;
	[tilespmem:s12+$0x130] =	vst v3  }
0xa6: {  	v5 =	vld.idx.msk [tilespmem:v5+s2+$0x0], $0xffff;
	[tilespmem:s12+$0x140] =	vst v10  }
0xa7: {  	v4 =	vld.idx.msk [tilespmem:v4+s2+$0x0], $0xffff;
	[tilespmem:s12+$0x150] =	vst v8  }
0xa8: {  	v2 =	vld.idx.msk [tilespmem:v2+s2+$0x0], $0xffff;
	[tilespmem:s12+$0x160] =	vst v9  }
0xa9: {  	[tilespmem:s12+$0x180] =	vst v7;
	v1 =	vld.idx.msk [tilespmem:v1+s2+$0x0], $0xffff  }
0xaa: {  	[tilespmem:s13+$0x190] =	vst v63;
	v0 =	vld.idx.msk [tilespmem:v0+s2+$0x0], $0xffff  }
0xab: {  	[tilespmem:s13+$0x1A0] =	vst v5  }
0xac: {  	[tilespmem:s13+$0x1B0] =	vst v4  }
0xad: {  	s11 =	sadd.s32 $0x1, s11;
	[tilespmem:s13+$0x1C0] =	vst v2  }
0xae: {  	p0 =	sne.s32 s11, s6;
	[tilespmem:s13+$0x1D0] =	vst v1  }
.Ltmp1:
0xaf: {  	[tilespmem:s13+$0x1E0] =	vst v0;
	(pc) =	sbr.rel @p0 .LBB2_1-.Ltmp1, $4  }
0xb0: {  	[hbm4b:s5+s2] =	stream.linear.scatter [tilespmem:s10], [sflag:$0x2], $0xC400, $0x38;
	[tilespmem:$0x1DC80] =	vst v63  }
0xb1: {  	_ =	swait.ge [sflag:s8], $0xC400  }
0xb2: {  	[sflag:s8] =	ssyncset.done $0x0  }
0xb3: {  	[sflag:s8] =	ssyncadd.s32 $0xFFFF3C00  }
0xb4: {  	_ =	sfence.sel $0x180000  }
0xb5: {  	[bflag:$0x0] =	sbarrier.arrive $0xFFFF  }
0xb6: {  	p0 =	sne.s32 s1, $0x0;
	_ =	strace $0x90000047  }
0xb7: {  	s0 =	sadd.s32 @!p0 $0x100000, s0;
	[bflag:$0x2] =	sbarrier.arrive $0xFFFF  }
0xb8: {  	[sflag:s0] =	ssyncadd.tile.s32 @!p0 $0x1;
	_ =	shalt  }
.Lfunc_end2:
_tile_overlayer_lowered:
.L_overlay_start_2:
0xb9: {  	(tag) =	ssettag $0x2  }
0xba: {  	s0 =	rddreg [dreg:$0x0];
	s2 =	stileid.u32  }
0xbb: {  	s1 =	rddreg [dreg:$0x1];
	p0 =	sne.s32 s2, $0x0  }
0xbc: {  	s3 =	rddreg [dreg:$0x2];
	[bflag:$0x3] =	sbarrier.arrive $0xFFFF;
	s2 =	simm.s32 @!p0 $0x1C02  }
0xbd: {  	[timem:s3], [sflag:s2] =	dma.local @!p0 [hbm:s0], s1  }
0xbe: {  	s0 =	simm.s32 @!p0 $0x2  }
0xbf: {  	_ =	swait.ge @!p0 [sflag:s0], s1  }
0xc0: {  	s1 =	ssub.s32 @!p0 $0x0, s1;
	[sflag:s0] =	ssyncset.done @!p0 $0x0  }
0xc1: {  	[sflag:s0] =	ssyncadd.s32 @!p0 s1  }
0xc2: {  	[bflag:$0x3] =	sbarrier.arrive $0xFFFF  }
0xc3: {  	_ =	shalt  }

</sc_bundles>
